<compile_context>
chip_gen: v7x
topology: tpu7x:2x2x1
jax: 0.10.2.dev20260603
libtpu: 0.0.44.dev20260713+nightly
codegen_flags: <defaults>
</compile_context>

<pallas_src>
import functools

import jax
import jax.numpy as jnp
from jax import lax
from jax.experimental import pallas as pl
from jax.experimental.pallas import tpu as pltpu
from jax.experimental.pallas import tpu_sc as plsc

_NUM_CORES = 2
_NUM_SUBCORES = 16
_NW = _NUM_CORES * _NUM_SUBCORES

_EPS2 = 1e-24
_NORM_BLOCK_ROWS = 1024


def _sc_gather_both(user_emb, item_emb, user_idx, item_idx):
    batch = user_idx.shape[0]
    dim = user_emb.shape[1]
    assert batch % _NW == 0
    b_per_w = batch // _NW
    out_t = jax.ShapeDtypeStruct((batch, dim), user_emb.dtype)
    mesh = plsc.VectorSubcoreMesh(core_axis_name="c", subcore_axis_name="s")

    @functools.partial(
        pl.kernel,
        mesh=mesh,
        out_type=[out_t, out_t],
        scratch_types=[
            pltpu.VMEM((b_per_w,), jnp.int32),
            pltpu.VMEM((b_per_w, dim), jnp.float32),
            pltpu.SemaphoreType.DMA,
        ],
    )
    def k(uemb_hbm, iemb_hbm, uidx_hbm, iidx_hbm, uout_hbm, iout_hbm,
          idx_v, rows_v, sem):
        wid = lax.axis_index("s") * _NUM_CORES + lax.axis_index("c")
        base = wid * b_per_w
        pltpu.sync_copy(uidx_hbm.at[pl.ds(base, b_per_w)], idx_v)
        pltpu.async_copy(uemb_hbm.at[idx_v], rows_v, sem).wait()
        pltpu.sync_copy(rows_v, uout_hbm.at[pl.ds(base, b_per_w)])
        pltpu.sync_copy(iidx_hbm.at[pl.ds(base, b_per_w)], idx_v)
        pltpu.async_copy(iemb_hbm.at[idx_v], rows_v, sem).wait()
        pltpu.sync_copy(rows_v, iout_hbm.at[pl.ds(base, b_per_w)])

    return k(user_emb, item_emb, user_idx, item_idx)


def _norm_body(u_ref, i_ref, uo_ref, io_ref):
    for src, dst in ((u_ref, uo_ref), (i_ref, io_ref)):
        x = src[...]
        n2 = jnp.sum(x * x, axis=-1, keepdims=True)
        dst[...] = x * lax.rsqrt(jnp.maximum(n2, _EPS2))


def _tc_normalize(ue, ie):
    batch, dim = ue.shape
    rows = min(_NORM_BLOCK_ROWS, batch)
    spec = pl.BlockSpec((rows, dim), lambda i: (i, 0))
    out_t = jax.ShapeDtypeStruct((batch, dim), ue.dtype)
    return pl.pallas_call(
        _norm_body,
        grid=(batch // rows,),
        in_specs=[spec, spec],
        out_specs=[spec, spec],
        out_shape=[out_t, out_t],
    )(ue, ie)


def kernel(user, item, user_embedding, item_embedding):
    ue, ie = _sc_gather_both(user_embedding, item_embedding, user, item)
    return tuple(_tc_normalize(ue, ie))

# --- scband reference (transcript-rebuilt; emitter-appended) ---
"""Pipeline reference for scband-light-gode-39539468926990 (READ-ONLY COPY).

The authoritative reference and input builder live on the scoring server;
editing this copy changes nothing except your own understanding.
"""

import jax, jax.numpy as jnp
import numpy as np

NUM_USER = 50000
NUM_ITEM = 50000
DIM_E = 128
BATCH = 16384

def _l2_normalize(x, eps=1e-12):
    # matches torch F.normalize(x, p=2, dim=-1)
    n = jnp.linalg.norm(x, ord=2, axis=-1, keepdims=True)
    return x / jnp.maximum(n, eps)

def setup_inputs(seed: int = 0) -> dict:
    key = jax.random.key(seed)
    k1, k2, k3, k4 = jax.random.split(key, 4)
    user = jax.random.randint(k1, (BATCH,), 0, NUM_USER, dtype=jnp.int64) if jax.config.jax_enable_x64 else jax.random.randint(k1, (BATCH,), 0, NUM_USER, dtype=jnp.int32)
    item = jax.random.randint(k2, (BATCH,), 0, NUM_ITEM, dtype=jnp.int32)
    user = user.astype(jnp.int32)
    # xavier_normal_ init: std = sqrt(2/(fan_in+fan_out))
    std = float(np.sqrt(2.0 / (NUM_USER + DIM_E)))
    user_embedding = jax.random.normal(k3, (NUM_USER, DIM_E), dtype=jnp.float32) * std
    std_i = float(np.sqrt(2.0 / (NUM_ITEM + DIM_E)))
    item_embedding = jax.random.normal(k4, (NUM_ITEM, DIM_E), dtype=jnp.float32) * std_i
    return {"user": user, "item": item, "user_embedding": user_embedding, "item_embedding": item_embedding}

def reference(user, item, user_embedding, item_embedding):
    # train_strategy == 'MF_init' and train_stage == 'pretrain' with module in
    # training mode (torch default) => use_mf = True => get_all_embeddings skips
    # the ODE/graph propagation and returns the raw ego embeddings split.
    user_e = jnp.take(user_embedding, user, axis=0)
    item_e = jnp.take(item_embedding, item, axis=0)
    return (_l2_normalize(user_e), _l2_normalize(item_e))

if __name__ == "__main__":
    import jax
    _d = setup_inputs()
    print(jax.jit(kernel)(*tuple(_d.values())))

</pallas_src>

<mosaic_0001>
#map = affine_map<(d0, d1) -> (0, 0)>
#map1 = affine_map<(d0, d1) -> (0)>
module attributes {stable_mosaic.version = 14 : i64} {
  func.func @k(%arg0: i32, %arg1: i32, %arg2: memref<50000x128xf32, #tpu.memory_space<hbm>>, %arg3: memref<50000x128xf32, #tpu.memory_space<hbm>>, %arg4: memref<16384xi32, #tpu.memory_space<hbm>>, %arg5: memref<16384xi32, #tpu.memory_space<hbm>>, %arg6: memref<16384x128xf32, #tpu.memory_space<hbm>>, %arg7: memref<16384x128xf32, #tpu.memory_space<hbm>>, %arg8: memref<512xi32, #tpu.memory_space<vmem>>, %arg9: memref<512x128xf32, #tpu.memory_space<vmem>>, %arg10: memref<!tpu.dma_semaphore, #tpu.memory_space<semaphore_mem>>) attributes {dimension_semantics = [#tpu.dimension_semantics<core_parallel>, #tpu.dimension_semantics<subcore_parallel>], iteration_bounds = array<i64: 2, 16>, scalar_prefetch = 0 : i64, scratch_operands = 3 : i64, tpu.core_type = #tpu.core_type<sc_vector_subcore>, window_params = [{transform_indices = #map}, {transform_indices = #map}, {transform_indices = #map1}, {transform_indices = #map1}, {transform_indices = #map}, {transform_indices = #map}]} {
    %mul3A = arith.constant 2 : i32
    %mul3A_0 = arith.muli %arg1, %mul3A : i32
    %add3A = arith.addi %mul3A_0, %arg0 : i32
    %mul3A_1 = arith.constant 512 : i32
    %mul3A_2 = arith.muli %add3A, %mul3A_1 : i32
    "tpu.region"() ({
      %run_scoped3A = tpu.sem_alloc : memref<!tpu.dma_semaphore, #tpu.memory_space<semaphore_mem>>
      %dma_start3A_13 = tpu.memref_slice %arg4[%mul3A_2] : memref<16384xi32, #tpu.memory_space<hbm>> -> memref<512xi32, #tpu.memory_space<hbm>>
      %dma_start3A_14 = tpu.memref_slice %arg4[%mul3A_2] : memref<16384xi32, #tpu.memory_space<hbm>> -> memref<512xi32, #tpu.memory_space<hbm>>
      tpu.enqueue_dma source(%dma_start3A_14 : memref<512xi32, #tpu.memory_space<hbm>>) target(%arg8 : memref<512xi32, #tpu.memory_space<vmem>>) target_semaphore(%run_scoped3A : memref<!tpu.dma_semaphore, #tpu.memory_space<semaphore_mem>>)
      %dma_wait3A_15 = tpu.memref_slice %arg4[%mul3A_2] : memref<16384xi32, #tpu.memory_space<hbm>> -> memref<512xi32, #tpu.memory_space<hbm>>
      %dma_wait3A_16 = tpu.memref_slice %arg4[%mul3A_2] : memref<16384xi32, #tpu.memory_space<hbm>> -> memref<512xi32, #tpu.memory_space<hbm>>
      tpu.wait_dma2 semaphore(%run_scoped3A : memref<!tpu.dma_semaphore, #tpu.memory_space<semaphore_mem>>) src(%dma_wait3A_16 : memref<512xi32, #tpu.memory_space<hbm>>) dst(%arg8 : memref<512xi32, #tpu.memory_space<vmem>>)
      tpu.yield
    }) : () -> ()
    %dma_start3A = arith.constant 0 : i32
    %dma_start3A_3 = arith.constant 0 : i32
    %dma_start3A_4 = tpu.memref_slice %arg2[%dma_start3A, %dma_start3A_3] : memref<50000x128xf32, #tpu.memory_space<hbm>> -> memref<50000x128xf32, #tpu.memory_space<hbm>>
    tpu.enqueue_indirect_dma source(%dma_start3A_4 : memref<50000x128xf32, #tpu.memory_space<hbm>>) target(%arg9 : memref<512x128xf32, #tpu.memory_space<vmem>>) offsets(%arg8 : memref<512xi32, #tpu.memory_space<vmem>>) semaphore(%arg10 : memref<!tpu.dma_semaphore, #tpu.memory_space<semaphore_mem>>)
    %dma_wait3A = arith.constant 0 : i32
    %dma_wait3A_5 = arith.constant 0 : i32
    %dma_wait3A_6 = tpu.memref_slice %arg2[%dma_wait3A, %dma_wait3A_5] : memref<50000x128xf32, #tpu.memory_space<hbm>> -> memref<50000x128xf32, #tpu.memory_space<hbm>>
    tpu.wait_indirect_dma semaphore(%arg10 : memref<!tpu.dma_semaphore, #tpu.memory_space<semaphore_mem>>) src(%dma_wait3A_6 : memref<50000x128xf32, #tpu.memory_space<hbm>>) dst(%arg9 : memref<512x128xf32, #tpu.memory_space<vmem>>)
    "tpu.region"() ({
      %run_scoped3A = tpu.sem_alloc : memref<!tpu.dma_semaphore, #tpu.memory_space<semaphore_mem>>
      %dma_start3A_13 = arith.constant 0 : i32
      %dma_start3A_14 = tpu.memref_slice %arg6[%mul3A_2, %dma_start3A_13] : memref<16384x128xf32, #tpu.memory_space<hbm>> -> memref<512x128xf32, #tpu.memory_space<hbm>>
      %dma_start3A_15 = arith.constant 0 : i32
      %dma_start3A_16 = tpu.memref_slice %arg6[%mul3A_2, %dma_start3A_15] : memref<16384x128xf32, #tpu.memory_space<hbm>> -> memref<512x128xf32, #tpu.memory_space<hbm>>
      tpu.enqueue_dma source(%arg9 : memref<512x128xf32, #tpu.memory_space<vmem>>) target(%dma_start3A_16 : memref<512x128xf32, #tpu.memory_space<hbm>>) target_semaphore(%run_scoped3A : memref<!tpu.dma_semaphore, #tpu.memory_space<semaphore_mem>>)
      %dma_wait3A_17 = arith.constant 0 : i32
      %dma_wait3A_18 = tpu.memref_slice %arg6[%mul3A_2, %dma_wait3A_17] : memref<16384x128xf32, #tpu.memory_space<hbm>> -> memref<512x128xf32, #tpu.memory_space<hbm>>
      %dma_wait3A_19 = arith.constant 0 : i32
      %dma_wait3A_20 = tpu.memref_slice %arg6[%mul3A_2, %dma_wait3A_19] : memref<16384x128xf32, #tpu.memory_space<hbm>> -> memref<512x128xf32, #tpu.memory_space<hbm>>
      tpu.wait_dma2 semaphore(%run_scoped3A : memref<!tpu.dma_semaphore, #tpu.memory_space<semaphore_mem>>) src(%arg9 : memref<512x128xf32, #tpu.memory_space<vmem>>) dst(%dma_wait3A_20 : memref<512x128xf32, #tpu.memory_space<hbm>>)
      tpu.yield
    }) : () -> ()
    "tpu.region"() ({
      %run_scoped3A = tpu.sem_alloc : memref<!tpu.dma_semaphore, #tpu.memory_space<semaphore_mem>>
      %dma_start3A_13 = tpu.memref_slice %arg5[%mul3A_2] : memref<16384xi32, #tpu.memory_space<hbm>> -> memref<512xi32, #tpu.memory_space<hbm>>
      %dma_start3A_14 = tpu.memref_slice %arg5[%mul3A_2] : memref<16384xi32, #tpu.memory_space<hbm>> -> memref<512xi32, #tpu.memory_space<hbm>>
      tpu.enqueue_dma source(%dma_start3A_14 : memref<512xi32, #tpu.memory_space<hbm>>) target(%arg8 : memref<512xi32, #tpu.memory_space<vmem>>) target_semaphore(%run_scoped3A : memref<!tpu.dma_semaphore, #tpu.memory_space<semaphore_mem>>)
      %dma_wait3A_15 = tpu.memref_slice %arg5[%mul3A_2] : memref<16384xi32, #tpu.memory_space<hbm>> -> memref<512xi32, #tpu.memory_space<hbm>>
      %dma_wait3A_16 = tpu.memref_slice %arg5[%mul3A_2] : memref<16384xi32, #tpu.memory_space<hbm>> -> memref<512xi32, #tpu.memory_space<hbm>>
      tpu.wait_dma2 semaphore(%run_scoped3A : memref<!tpu.dma_semaphore, #tpu.memory_space<semaphore_mem>>) src(%dma_wait3A_16 : memref<512xi32, #tpu.memory_space<hbm>>) dst(%arg8 : memref<512xi32, #tpu.memory_space<vmem>>)
      tpu.yield
    }) : () -> ()
    %dma_start3A_7 = arith.constant 0 : i32
    %dma_start3A_8 = arith.constant 0 : i32
    %dma_start3A_9 = tpu.memref_slice %arg3[%dma_start3A_7, %dma_start3A_8] : memref<50000x128xf32, #tpu.memory_space<hbm>> -> memref<50000x128xf32, #tpu.memory_space<hbm>>
    tpu.enqueue_indirect_dma source(%dma_start3A_9 : memref<50000x128xf32, #tpu.memory_space<hbm>>) target(%arg9 : memref<512x128xf32, #tpu.memory_space<vmem>>) offsets(%arg8 : memref<512xi32, #tpu.memory_space<vmem>>) semaphore(%arg10 : memref<!tpu.dma_semaphore, #tpu.memory_space<semaphore_mem>>)
    %dma_wait3A_10 = arith.constant 0 : i32
    %dma_wait3A_11 = arith.constant 0 : i32
    %dma_wait3A_12 = tpu.memref_slice %arg3[%dma_wait3A_10, %dma_wait3A_11] : memref<50000x128xf32, #tpu.memory_space<hbm>> -> memref<50000x128xf32, #tpu.memory_space<hbm>>
    tpu.wait_indirect_dma semaphore(%arg10 : memref<!tpu.dma_semaphore, #tpu.memory_space<semaphore_mem>>) src(%dma_wait3A_12 : memref<50000x128xf32, #tpu.memory_space<hbm>>) dst(%arg9 : memref<512x128xf32, #tpu.memory_space<vmem>>)
    "tpu.region"() ({
      %run_scoped3A = tpu.sem_alloc : memref<!tpu.dma_semaphore, #tpu.memory_space<semaphore_mem>>
      %dma_start3A_13 = arith.constant 0 : i32
      %dma_start3A_14 = tpu.memref_slice %arg7[%mul3A_2, %dma_start3A_13] : memref<16384x128xf32, #tpu.memory_space<hbm>> -> memref<512x128xf32, #tpu.memory_space<hbm>>
      %dma_start3A_15 = arith.constant 0 : i32
      %dma_start3A_16 = tpu.memref_slice %arg7[%mul3A_2, %dma_start3A_15] : memref<16384x128xf32, #tpu.memory_space<hbm>> -> memref<512x128xf32, #tpu.memory_space<hbm>>
      tpu.enqueue_dma source(%arg9 : memref<512x128xf32, #tpu.memory_space<vmem>>) target(%dma_start3A_16 : memref<512x128xf32, #tpu.memory_space<hbm>>) target_semaphore(%run_scoped3A : memref<!tpu.dma_semaphore, #tpu.memory_space<semaphore_mem>>)
      %dma_wait3A_17 = arith.constant 0 : i32
      %dma_wait3A_18 = tpu.memref_slice %arg7[%mul3A_2, %dma_wait3A_17] : memref<16384x128xf32, #tpu.memory_space<hbm>> -> memref<512x128xf32, #tpu.memory_space<hbm>>
      %dma_wait3A_19 = arith.constant 0 : i32
      %dma_wait3A_20 = tpu.memref_slice %arg7[%mul3A_2, %dma_wait3A_19] : memref<16384x128xf32, #tpu.memory_space<hbm>> -> memref<512x128xf32, #tpu.memory_space<hbm>>
      tpu.wait_dma2 semaphore(%run_scoped3A : memref<!tpu.dma_semaphore, #tpu.memory_space<semaphore_mem>>) src(%arg9 : memref<512x128xf32, #tpu.memory_space<vmem>>) dst(%dma_wait3A_20 : memref<512x128xf32, #tpu.memory_space<hbm>>)
      tpu.yield
    }) : () -> ()
    return
  }
}

module attributes {stable_mosaic.version = 14 : i64} {
  func.func @_norm_body(%arg0: i32, %arg1: memref<1024x128xf32, #tpu.memory_space<vmem>>, %arg2: memref<1024x128xf32, #tpu.memory_space<vmem>>, %arg3: memref<1024x128xf32, #tpu.memory_space<vmem>>, %arg4: memref<1024x128xf32, #tpu.memory_space<vmem>>) attributes {dimension_semantics = [#tpu.dimension_semantics<arbitrary>], iteration_bounds = array<i64: 16>, scalar_prefetch = 0 : i64, scratch_operands = 0 : i64, tpu.core_type = #tpu.core_type<tc>, window_params = [{transform_indices = @transform_0, window_bounds = array<i64: 1024, 128>}, {transform_indices = @transform_1, window_bounds = array<i64: 1024, 128>}, {transform_indices = @transform_2, window_bounds = array<i64: 1024, 128>}, {transform_indices = @transform_3, window_bounds = array<i64: 1024, 128>}]} {
    %get3A = arith.constant 0 : index
    %get3A_0 = arith.constant 0 : index
    %get3A_1 = vector.load %arg1[%get3A, %get3A_0] : memref<1024x128xf32, #tpu.memory_space<vmem>>, vector<1024x128xf32>
    %mul3A = arith.mulf %get3A_1, %get3A_1 : vector<1024x128xf32>
    %reduce_sum3A = arith.constant dense<0.000000e+00> : vector<1024xf32>
    %reduce_sum3A_2 = vector.multi_reduction <add>, %mul3A, %reduce_sum3A [1] : vector<1024x128xf32> to vector<1024xf32>
    %broadcast_in_dim3A = vector.shape_cast %reduce_sum3A_2 : vector<1024xf32> to vector<1024x1xf32>
    %max3A = arith.constant 1.000000e-24 : f32
    %max3A_3 = vector.broadcast %max3A : f32 to vector<1024x1xf32>
    %max3A_4 = arith.maximumf %broadcast_in_dim3A, %max3A_3 : vector<1024x1xf32>
    %rsqrt3A = math.rsqrt %max3A_4 : vector<1024x1xf32>
    %mul3A_5 = vector.broadcast %rsqrt3A : vector<1024x1xf32> to vector<1024x128xf32>
    %mul3A_6 = arith.mulf %get3A_1, %mul3A_5 : vector<1024x128xf32>
    %swap3A = arith.constant 0 : index
    %swap3A_7 = arith.constant 0 : index
    %swap3A_8 = vector.load %arg3[%swap3A, %swap3A_7] : memref<1024x128xf32, #tpu.memory_space<vmem>>, vector<1024x128xf32>
    tpu.vector_store %arg3[%swap3A, %swap3A_7], %mul3A_6 {strides = array<i32>} : memref<1024x128xf32, #tpu.memory_space<vmem>>, vector<1024x128xf32>,
    %get3A_9 = arith.constant 0 : index
    %get3A_10 = arith.constant 0 : index
    %get3A_11 = vector.load %arg2[%get3A_9, %get3A_10] : memref<1024x128xf32, #tpu.memory_space<vmem>>, vector<1024x128xf32>
    %mul3A_12 = arith.mulf %get3A_11, %get3A_11 : vector<1024x128xf32>
    %reduce_sum3A_13 = arith.constant dense<0.000000e+00> : vector<1024xf32>
    %reduce_sum3A_14 = vector.multi_reduction <add>, %mul3A_12, %reduce_sum3A_13 [1] : vector<1024x128xf32> to vector<1024xf32>
    %broadcast_in_dim3A_15 = vector.shape_cast %reduce_sum3A_14 : vector<1024xf32> to vector<1024x1xf32>
    %max3A_16 = arith.constant 1.000000e-24 : f32
    %max3A_17 = vector.broadcast %max3A_16 : f32 to vector<1024x1xf32>
    %max3A_18 = arith.maximumf %broadcast_in_dim3A_15, %max3A_17 : vector<1024x1xf32>
    %rsqrt3A_19 = math.rsqrt %max3A_18 : vector<1024x1xf32>
    %mul3A_20 = vector.broadcast %rsqrt3A_19 : vector<1024x1xf32> to vector<1024x128xf32>
    %mul3A_21 = arith.mulf %get3A_11, %mul3A_20 : vector<1024x128xf32>
    %swap3A_22 = arith.constant 0 : index
    %swap3A_23 = arith.constant 0 : index
    %swap3A_24 = vector.load %arg4[%swap3A_22, %swap3A_23] : memref<1024x128xf32, #tpu.memory_space<vmem>>, vector<1024x128xf32>
    tpu.vector_store %arg4[%swap3A_22, %swap3A_23], %mul3A_21 {strides = array<i32>} : memref<1024x128xf32, #tpu.memory_space<vmem>>, vector<1024x128xf32>,
    return
  }
  func.func @transform_0(%arg0: i32) -> (i32, i32) {
    %c0_i32 = arith.constant 0 : i32
    %c0_i32_0 = arith.constant 0 : i32
    return %arg0, %c0_i32 : i32, i32
  }
  func.func @transform_1(%arg0: i32) -> (i32, i32) {
    %c0_i32 = arith.constant 0 : i32
    %c0_i32_0 = arith.constant 0 : i32
    return %arg0, %c0_i32 : i32, i32
  }
  func.func @transform_2(%arg0: i32) -> (i32, i32) {
    %c0_i32 = arith.constant 0 : i32
    %c0_i32_0 = arith.constant 0 : i32
    return %arg0, %c0_i32 : i32, i32
  }
  func.func @transform_3(%arg0: i32) -> (i32, i32) {
    %c0_i32 = arith.constant 0 : i32
    %c0_i32_0 = arith.constant 0 : i32
    return %arg0, %c0_i32 : i32, i32
  }
}

</mosaic_0001>

<sc_bundles>
// kernel: kernel.4.cloned.1.call-start
scs
__scs_entry_jumppad:
0x0: {  	(pc) =	sbr.rel $0x88, $3  }
0x1: {  	(tag) =	ssettag $0x0;
	lr =	simm.s32 $0x1  }
0x2: {  	[smem:$0x3F9D] =	sst lr;
	_ =	strace $0xD0000000  }
0x3: {  	_ = 	snop  }
0x4: {  	_ = 	snop  }
0x5: {  	_ = 	snop  }
0x6: {  	_ = 	snop  }
0x7: {  	_ = 	snop  }
__scs_overlays_trampoline_lowered:
0x8: {  	[smem:$0x3FAC] =	sst s0  }
0x9: {  	[smem:$0x3FAD] =	sst s1  }
0xa: {  	[smem:$0x3FAE] =	sst s2  }
0xb: {  	[smem:$0x3FAF] =	sst s3  }
0xc: {  	[smem:$0x3FB0] =	sst s4  }
0xd: {  	[smem:$0x3FB1] =	sst s5  }
0xe: {  	[smem:$0x3FB2] =	sst s6  }
0xf: {  	[smem:$0x3FB3] =	sst s7  }
0x10: {  	[smem:$0x3FB4] =	sst s8  }
0x11: {  	[smem:$0x3FB5] =	sst s9;
	s0 =	simm.s32 @!p0 $0x0  }
0x12: {  	s1 =	sld [smem:$0x3F9B];
	s0 =	simm.s32 @p0 $0x1  }
0x13: {  	[smem:$0x3FB6] =	sst s0;
	s0 =	simm.s32 @!p1 $0x0  }
0x14: {  	s2 =	sld [smem:$0x3F9A];
	s0 =	simm.s32 @p1 $0x1  }
0x15: {  	[smem:$0x3FB7] =	sst s0;
	s0 =	simm.s32 @!p2 $0x0  }
0x16: {  	s3 =	sld [smem:$0x3FDB];
	s0 =	simm.s32 @p2 $0x1  }
0x17: {  	s4 =	simm.s32 $0x1BF5;
	[smem:$0x3FB9] =	sst s0  }
0x18: {  	s0 =	sld [smem:$0x3F9C];
	_ =	swait.ge [sflag:s4], $0x0  }
0x19: {  	s7 =	sld [smem:$0x3F9D]  }
0x1a: {  	s8 =	sadd.s32 $0xFFFFE003, lr  }
0x1b: {  	s9 =	sadd.s32 $0xFFFFFEF7, lr;
	s5 =	simm.s32 $0xFFFFFFFF;
	p2 =	slt.u32 s8, $0xFFFFF086  }
0x1c: {  	p1 =	slt.u32 s9, $0xF7A;
	s5 =	simm.s32 @!p2 $0x0  }
0x1d: {  	s5 =	simm.s32 @p1 $0x1;
	p0 =	seq.s32 s7, s2  }
0x1e: {  	s7 =	smul.u32 @!p0 $0xF7A, s2;
	p2 =	seq.s32 @!p0 s5, $0x0  }
0x1f: {  	s9 =	smul.u32 $0xF7A, s1;
	s8 =	simm.s32 @!p0 $0x1BF5;
	p2 =	por !p2, p0  }
0x20: {  	[sflag:s8] =	ssyncset.s32 @!p0 $0xFFFFF086;
	s6 =	sadd.s32 @!p0 s3, s7;
	s7 =	simm.s32 @!p0 $0x108  }
0x21: {  	s3 =	sadd.s32 s3, s9;
	s6 =	sadd.s32 @!p0 $0x88, s6;
	s7 =	simm.s32 @p2 $0x1082  }
0x22: {  	[simem:s7], [sflag:s8] =	dma.local @!p0 [hbm:s6], $0xF7A  }
0x23: {  	s9 =	sor.u32 $0xD0000000, s2;
	s6 =	simm.s32 $0x108;
	_ =	swait.ge @!p0 [sflag:s8], $0x0  }
0x24: {  	s3 =	sadd.s32 $0x88, s3;
	s6 =	simm.s32 @!p1 $0x1082;
	[sflag:s4] =	ssyncset.s32 $0xFFFFF086  }
0x25: {  	[simem:s6], [sflag:s4] =	dma.local [hbm:s3], $0xF7A  }
0x26: {  	[smem:$0x3F9D] =	sst s1;
	(tag) =	ssettag s2;
	_ =	strace s9  }
0x27: {  	s1 =	sld [smem:$0x3FAD]  }
0x28: {  	s2 =	sld [smem:$0x3FAE]  }
0x29: {  	s4 =	sld [smem:$0x3FB0]  }
0x2a: {  	p0 =	seq.s32 s5, $0x0;
	s5 =	sld [smem:$0x3FB1]  }
0x2b: {  	s6 =	sld [smem:$0x3FB2]  }
0x2c: {  	s7 =	sld [smem:$0x3FB3]  }
0x2d: {  	s3 =	simm.s32 $0x108;
	s8 =	sld [smem:$0x3FB4]  }
0x2e: {  	s3 =	simm.s32 @!p0 $0x1082;
	s9 =	sld [smem:$0x3FB5]  }
0x2f: {  	lr =	sadd.s32 s0, s3;
	s0 =	sld [smem:$0x3FAC]  }
0x30: {  	s3 =	sld [smem:$0x3FAF]  }
0x31: {  	[smem:$0x3FB8] =	sst s10  }
0x32: {  	s10 =	sld [smem:$0x3FB6];
	_ =	sdelay $0x3  }
0x33: {  	p0 =	seq.s32 s10, $0x1;
	s10 =	sld [smem:$0x3FB8];
	_ =	sdelay $0x3  }
0x34: {  	[smem:$0x3FB8] =	sst s10  }
0x35: {  	s10 =	sld [smem:$0x3FB7];
	_ =	sdelay $0x3  }
0x36: {  	p1 =	seq.s32 s10, $0x1;
	s10 =	sld [smem:$0x3FB8];
	_ =	sdelay $0x3  }
0x37: {  	[smem:$0x3FB8] =	sst s10  }
0x38: {  	s10 =	sld [smem:$0x3FB9]  }
0x39: {  	_ = 	snop;
	(pc) =	sbr.ind lr, $3  }
0x3a: {  	_ = 	snop  }
0x3b: {  	_ = 	snop  }
0x3c: {  	p2 =	seq.s32 s10, $0x1;
	s10 =	sld [smem:$0x3FB8]  }
0x3d: {  	_ =	shalt  }
0x3e: {  	_ =	shalt  }
0x3f: {  	_ =	shalt  }
0x40: {  	_ =	shalt  }
0x41: {  	_ =	shalt  }
0x42: {  	_ =	shalt  }
0x43: {  	_ =	shalt  }
0x44: {  	_ =	shalt  }
0x45: {  	_ =	shalt  }
0x46: {  	_ =	shalt  }
0x47: {  	_ =	shalt  }
0x48: {  	_ =	shalt  }
0x49: {  	_ =	shalt  }
0x4a: {  	_ =	shalt  }
0x4b: {  	_ =	shalt  }
0x4c: {  	_ =	shalt  }
0x4d: {  	_ =	shalt  }
0x4e: {  	_ =	shalt  }
0x4f: {  	_ =	shalt  }
0x50: {  	_ =	shalt  }
0x51: {  	_ =	shalt  }
0x52: {  	_ =	shalt  }
0x53: {  	_ =	shalt  }
0x54: {  	_ =	shalt  }
0x55: {  	_ =	shalt  }
0x56: {  	_ =	shalt  }
0x57: {  	_ =	shalt  }
0x58: {  	_ =	shalt  }
0x59: {  	_ =	shalt  }
0x5a: {  	_ =	shalt  }
0x5b: {  	_ =	shalt  }
0x5c: {  	_ =	shalt  }
0x5d: {  	_ =	shalt  }
0x5e: {  	_ =	shalt  }
0x5f: {  	_ =	shalt  }
0x60: {  	_ =	shalt  }
0x61: {  	_ =	shalt  }
0x62: {  	_ =	shalt  }
0x63: {  	_ =	shalt  }
0x64: {  	_ =	shalt  }
0x65: {  	_ =	shalt  }
0x66: {  	_ =	shalt  }
0x67: {  	_ =	shalt  }
0x68: {  	_ =	shalt  }
0x69: {  	_ =	shalt  }
0x6a: {  	_ =	shalt  }
0x6b: {  	_ =	shalt  }
0x6c: {  	_ =	shalt  }
0x6d: {  	_ =	shalt  }
0x6e: {  	_ =	shalt  }
0x6f: {  	_ =	shalt  }
0x70: {  	_ =	shalt  }
0x71: {  	_ =	shalt  }
0x72: {  	_ =	shalt  }
0x73: {  	_ =	shalt  }
0x74: {  	_ =	shalt  }
0x75: {  	_ =	shalt  }
0x76: {  	_ =	shalt  }
0x77: {  	_ =	shalt  }
0x78: {  	_ =	shalt  }
0x79: {  	_ =	shalt  }
0x7a: {  	_ =	shalt  }
0x7b: {  	_ =	shalt  }
0x7c: {  	_ =	shalt  }
0x7d: {  	_ =	shalt  }
0x7e: {  	_ =	shalt  }
0x7f: {  	_ =	shalt  }
0x80: {  	_ =	shalt  }
0x81: {  	_ =	shalt  }
0x82: {  	_ =	shalt  }
0x83: {  	_ =	shalt  }
0x84: {  	_ =	shalt  }
0x85: {  	_ =	shalt  }
0x86: {  	_ =	shalt  }
0x87: {  	_ =	shalt  }
.Lfunc_end0:
.L_simem_size_0:
called_computation_lowered:
.L_overlay_start_0:
0x88: {  	s2 =	sld [smem:$0x3FD9]  }
0x89: {  	s3 =	sld [smem:$0x3FFE];
	_ =	sdelay $0x1  }
0x8a: {  	s1 =	srdreg.scid  }
0x8b: {  	s0 =	sand.u32 $0x1, s1  }
0x8c: {  	s15 =	sshll.u32 s0, $0xA;
	s2 =	sadd.s32 s3, s2  }
0x8d: {  	s2 =	sadd.s32 s2, s15  }
0x8e: {  	[smem:$0x3FC4] =	sst s2  }
0x8f: {  	_ = 	snop  }
0x90: {  	s2 =	sld [smem:$0x3FC9]  }
0x91: {  	s16 =	sld [smem:$0x3FD0]  }
0x92: {  	s4 =	sld [smem:$0x3FC8]  }
0x93: {  	s5 =	sld [smem:$0x3FC7]  }
0x94: {  	s7 =	simm.s32 $0xA;
	s8 =	simm.s32 $0x10;
	s6 =	sld [smem:$0x3FC6]  }
0x95: {  	[smem:s8], [sflag:s7] =	dma.local [hbm:s16], $0x1  }
0x96: {  	_ =	swait.eq [sflag:s7], $0x1  }
0x97: {  	[sflag:s7] =	ssyncset.done $0x0  }
0x98: {  	s17 =	sld [smem:$0x10];
	[sflag:s7] =	ssyncadd.s32 $0xFFFFFFFF  }
0x99: {  	s18 =	sld [smem:$0x11];
	(tm) =	ssettm $0x1  }
0x9a: {  	s19 =	sld [smem:$0x3FFB];
	_ =	sdelay $0x3  }
0x9b: {  	_ =	strace s19  }
0x9c: {  	s8 =	sld [smem:$0x3FFC];
	_ =	sdelay $0x3  }
0x9d: {  	_ =	strace s8  }
0x9e: {  	s8 =	sld [smem:$0x3FFD];
	_ =	sdelay $0x3  }
0x9f: {  	_ =	strace s8  }
0xa0: {  	_ =	strace $0x8FFFFFFF  }
0xa1: {  	s20 =	sld [smem:$0x3FDB];
	_ =	sdelay $0x1  }
0xa2: {  	s9 =	simm.s32 $_scs_section_size  }
0xa3: {  	s10 =	simm.s32 $_size__tile_overlayer_lowered;
	s11 =	simm.s32 $_tile_overlayer_lowered  }
0xa4: {  	s23 =	simm.s32 $0x1BFF;
	s22 =	sshll.u32 s11, $0x1;
	s8 =	sadd.s32 s9, s20  }
0xa5: {  	s12 =	simm.s32 $0x0;
	s21 =	sshll.u32 s10, $0x1;
	s10 =	sadd.s32 s22, s8  }
0xa6: {  	[timem:s12], [sflag:s23] =	dma.local [hbm:s10], s21  }
0xa7: {  	_ =	swait.ge [sflag:s23], s21  }
0xa8: {  	s9 =	ssub.s32 $0x0, s21;
	[sflag:s23] =	ssyncset.done $0x0  }
0xa9: {  	[sflag:s23] =	ssyncadd.s32 s9;
	_ =	sdelay $0x1  }
0xaa: {  	s24 =	simm.s32 $0x1B8B  }
0xab: {  	_ =	swait.ge [sflag:s24], $0x1  }
0xac: {  	[sflag:s24] =	ssyncset.done $0x0  }
0xad: {  	s25 =	simm.s32 $0x1B8E;
	[sflag:s24] =	ssyncadd.s32 $0xFFFFFFFF  }
0xae: {  	s26 =	simm.s32 $execute0_lowered;
	[smem:$0x3FD2] =	sst s25  }
0xaf: {  	s9 =	sshll.u32 s26, $0x1;
	_ =	strace $0x80000046;
	[dreg:$0x1] =	wrdreg $0xFFFFFFFF  }
0xb0: {  	s28 =	simm.s32 $_size_execute0_lowered;
	s8 =	sadd.s32 s8, s9;
	[dreg:$0x0] =	wrdreg $0x0  }
0xb1: {  	s9 =	sshll.u32 s28, $0x1;
	[dreg:$0x2] =	wrdreg s8  }
0xb2: {  	[dreg:$0x3] =	wrdreg s9  }
0xb3: {  	[dreg:$0x4] =	wrdreg $0xC0  }
0xb4: {  	_ =	task [dreg:s12], $0x5FFFF  }
0xb5: {  	[dreg:$0x1] =	wrdreg $0xFFFFFFFF  }
0xb6: {  	[dreg:$0x0] =	wrdreg $0x60  }
0xb7: {  	[dreg:$0x2] =	wrdreg s5  }
0xb8: {  	[dreg:$0x3] =	wrdreg s6  }
0xb9: {  	[dreg:$0x4] =	wrdreg s2  }
0xba: {  	[dreg:$0x5] =	wrdreg s4  }
0xbb: {  	[dreg:$0x6] =	wrdreg s18  }
0xbc: {  	[dreg:$0x7] =	wrdreg s17  }
0xbd: {  	[dreg:$0x8] =	wrdreg $0x9  }
0xbe: {  	_ =	task.clear_ibuf [dreg:s12], $0x9FFFF;
	_ =	strace $0x90000046  }
0xbf: {  	s29 =	simm.s32 $0x9;
	_ =	strace $0x80000048  }
0xc0: {  	_ =	swait.ge [sflag:s29], $0x1  }
0xc1: {  	[sflag:s29] =	ssyncadd.s32 $0xFFFFFFFF  }
0xc2: {  	_ =	strace $0x90000048  }
0xc3: {  	_ =	sfence  }
0xc4: {  	s30 =	sld [smem:$0x0];
	_ =	sdelay $0x2  }
0xc5: {  	s31 =	sshll.u32 s1, $0xD;
	s1 =	sshrl.u32 s1, $0x2  }
0xc6: {  	s3 =	sand.u32 $0x4000, s31;
	s1 =	sadd.s32 s1, s30  }
0xc7: {  	s0 =	sor.u32 s3, s0;
	s1 =	sshll.u32 s1, $0x11  }
0xc8: {  	s0 =	sor.u32 s1, s0  }
0xc9: {  	s0 =	sadd.s32 $0x8F2B, s0  }
0xca: {  	[sflag:s0] =	ssyncadd.remote.s32 $0x1  }
0xcb: {  	_ =	sfence.sel $0xFFFF  }
0xcc: {  	[dreg:$0x0] =	wrdreg $0xFFFFFFFF;
	(pc) =	sbr.abs _section_cstart, $3  }
0xcd: {  	[dreg:$0x1] =	wrdreg $0xFFFFFFFF  }
0xce: {  	_ =	task.clear_ibuf [dreg:s12], $0x2FFFF;
	_ =	strace $0x9FFFFFFF  }
0xcf: {  	(tm) =	ssettm $0x7FFFFFFF  }
tec
execute0_lowered:
.L_overlay_start_1:
0x0: {  	(tag) =	ssettag $0x1  }
0x1: {  	s0 =	rddreg [dreg:$0x0]  }
0x2: {  	s2 =	rddreg [dreg:$0x1]  }
0x3: {  	s5 =	rddreg [dreg:$0x2]  }
0x4: {  	s10 =	rddreg [dreg:$0x3];
	s3 =	srdreg.scid  }
0x5: {  	s9 =	rddreg [dreg:$0x4];
	s1 =	stileid.u32;
	s11 =	sand.u32 $0x1, s3  }
0x6: {  	s12 =	rddreg [dreg:$0x5];
	s6 =	sshll.u32 s1, $0xA;
	s7 =	sshll.u32 s11, $0x9  }
0x7: {  	s4 =	simm.s32 $0x0;
	s3 =	rddreg [dreg:$0x6];
	s13 =	sor.u32 s7, s6  }
0x8: {  	[smem:$0x7FF] =	sst s4;
	s14 =	sshrl.u32 s13, $0x3  }
0x9: {  	_ =	strace $0x80000047;
	s6 =	sadd.s32 s5, s14;
	s5 =	simm.s32 $0x2  }
0xa: {  	[tilespmem:s4], [sflag:$0x2] =	stream.linear.gather [hbm4b:s6+s4], $0x200, $0x38;
	[tilespmem:$0x10200] =	vst v63  }
0xb: {  	_ =	swait.ge [sflag:s5], $0x200  }
0xc: {  	[sflag:s5] =	ssyncset.done $0x0  }
0xd: {  	s8 =	simm.s32 $0x1;
	s7 =	simm.s32 $0x200;
	[sflag:s5] =	ssyncadd.s32 $0xFFFFFE00  }
0xe: {  	[tilespmem:s7], [sflag:$0x1] =	stream.indirect.gather [hbm4b:s0+s7], $0x80, s4, s7, $0xb8;
	[tilespmem:$0x10200] =	vst v63  }
0xf: {  	_ =	swait.ge [sflag:s8], $0x10000  }
0x10: {  	s13 =	sshll.u32 s13, $0x4;
	[sflag:s8] =	ssyncset.done $0x0  }
0x11: {  	s9 =	sadd.s32 s9, s13;
	[sflag:s8] =	ssyncadd.s32 $0xFFFF0000  }
0x12: {  	[hbm4b:s9+s4] =	stream.linear.scatter [tilespmem:s7], [sflag:$0x2], $0x10000, $0x38;
	[tilespmem:$0x10200] =	vst v63  }
0x13: {  	_ =	swait.ge [sflag:s5], $0x10000  }
0x14: {  	[sflag:s5] =	ssyncset.done $0x0  }
0x15: {  	s11 =	ssub.s32 $0x2, s11;
	s10 =	sadd.s32 s10, s14;
	[sflag:s5] =	ssyncadd.s32 $0xFFFF0000  }
0x16: {  	[tilespmem:s4], [sflag:$0x2] =	stream.linear.gather [hbm4b:s10+s4], $0x200, $0x38;
	[tilespmem:$0x10200] =	vst v63  }
0x17: {  	s30 =	sshrl.u32 s11, $0x1;
	_ =	swait.ge [sflag:s5], $0x200  }
0x18: {  	s14 =	ssub.s32 s11, s30;
	[sflag:s5] =	ssyncset.done $0x0  }
0x19: {  	s31 =	smax.u32 s14, $0x1;
	[sflag:s5] =	ssyncadd.s32 $0xFFFFFE00  }
0x1a: {  	[tilespmem:s7], [sflag:$0x1] =	stream.indirect.gather [hbm4b:s2+s7], $0x80, s4, s7, $0xb8;
	[tilespmem:$0x10200] =	vst v63  }
0x1b: {  	p0 =	sne.s32 s31, $0x1;
	_ =	swait.ge [sflag:s8], $0x10000  }
.Ltmp0:
0x1c: {  	[sflag:s8] =	ssyncset.done $0x0;
	(pc) =	sbr.rel @!p0 .LBB2_2-.Ltmp0, $4  }
0x1d: {  	s11 =	sadd.s32 s12, s13;
	[sflag:s8] =	ssyncadd.s32 $0xFFFF0000  }
0x1e: {  	[hbm4b:s11+s4] =	stream.linear.scatter [tilespmem:s7], [sflag:$0x2], $0x10000, $0x38;
	[tilespmem:$0x10200] =	vst v63  }
0x1f: {  	_ =	swait.ge [sflag:s5], $0x10000  }
0x20: {  	s12 =	sadd.s32 $0xFFFFFFFF, s31;
	[sflag:s5] =	ssyncset.done $0x0  }
.LBB2_1:
0x21: {  	p0 =	sne.s32 s12, $0x1;
	s12 =	sadd.s32 $0xFFFFFFFF, s12;
	[sflag:s5] =	ssyncadd.s32 $0xFFFF0000  }
0x22: {  	[tilespmem:s4], [sflag:$0x2] =	stream.linear.gather [hbm4b:s6+s4], $0x200, $0x38;
	[tilespmem:$0x10200] =	vst v63  }
0x23: {  	_ =	swait.ge [sflag:s5], $0x200  }
0x24: {  	[sflag:s5] =	ssyncset.done $0x0  }
0x25: {  	[sflag:s5] =	ssyncadd.s32 $0xFFFFFE00  }
0x26: {  	[tilespmem:s7], [sflag:$0x1] =	stream.indirect.gather [hbm4b:s0+s7], $0x80, s4, s7, $0xb8;
	[tilespmem:$0x10200] =	vst v63  }
0x27: {  	_ =	swait.ge [sflag:s8], $0x10000  }
0x28: {  	[sflag:s8] =	ssyncset.done $0x0  }
0x29: {  	[sflag:s8] =	ssyncadd.s32 $0xFFFF0000  }
0x2a: {  	[hbm4b:s9+s4] =	stream.linear.scatter [tilespmem:s7], [sflag:$0x2], $0x10000, $0x38;
	[tilespmem:$0x10200] =	vst v63  }
0x2b: {  	_ =	swait.ge [sflag:s5], $0x10000  }
0x2c: {  	[sflag:s5] =	ssyncset.done $0x0  }
0x2d: {  	[sflag:s5] =	ssyncadd.s32 $0xFFFF0000  }
0x2e: {  	[tilespmem:s4], [sflag:$0x2] =	stream.linear.gather [hbm4b:s10+s4], $0x200, $0x38;
	[tilespmem:$0x10200] =	vst v63  }
0x2f: {  	_ =	swait.ge [sflag:s5], $0x200  }
0x30: {  	[sflag:s5] =	ssyncset.done $0x0  }
0x31: {  	[sflag:s5] =	ssyncadd.s32 $0xFFFFFE00  }
0x32: {  	[tilespmem:s7], [sflag:$0x1] =	stream.indirect.gather [hbm4b:s2+s7], $0x80, s4, s7, $0xb8;
	[tilespmem:$0x10200] =	vst v63  }
0x33: {  	_ =	swait.ge [sflag:s8], $0x10000  }
.Ltmp1:
0x34: {  	[sflag:s8] =	ssyncset.done $0x0;
	(pc) =	sbr.rel @p0 .LBB2_1-.Ltmp1, $4  }
0x35: {  	[sflag:s8] =	ssyncadd.s32 $0xFFFF0000  }
0x36: {  	[hbm4b:s11+s4] =	stream.linear.scatter [tilespmem:s7], [sflag:$0x2], $0x10000, $0x38;
	[tilespmem:$0x10200] =	vst v63  }
0x37: {  	_ =	swait.ge [sflag:s5], $0x10000  }
0x38: {  	[sflag:s5] =	ssyncset.done $0x0  }
.LBB2_2:
0x39: {  	[sflag:s5] =	ssyncadd.s32 $0xFFFF0000  }
0x3a: {  	_ =	sfence.sel $0x180000  }
0x3b: {  	[bflag:$0x0] =	sbarrier.arrive $0xFFFF  }
0x3c: {  	p0 =	sne.s32 s1, $0x0;
	_ =	strace $0x90000047  }
0x3d: {  	s0 =	sadd.s32 @!p0 $0x100000, s3;
	[bflag:$0x2] =	sbarrier.arrive $0xFFFF  }
0x3e: {  	[sflag:s0] =	ssyncadd.tile.s32 @!p0 $0x1;
	_ =	shalt  }
.Lfunc_end2:
_tile_overlayer_lowered:
.L_overlay_start_2:
0x3f: {  	(tag) =	ssettag $0x2  }
0x40: {  	s0 =	rddreg [dreg:$0x0];
	s2 =	stileid.u32  }
0x41: {  	s1 =	rddreg [dreg:$0x1];
	p0 =	sne.s32 s2, $0x0  }
0x42: {  	s3 =	rddreg [dreg:$0x2];
	[bflag:$0x3] =	sbarrier.arrive $0xFFFF;
	s2 =	simm.s32 @!p0 $0x1C02  }
0x43: {  	[timem:s3], [sflag:s2] =	dma.local @!p0 [hbm:s0], s1  }
0x44: {  	s0 =	simm.s32 @!p0 $0x2  }
0x45: {  	_ =	swait.ge @!p0 [sflag:s0], s1  }
0x46: {  	s1 =	ssub.s32 @!p0 $0x0, s1;
	[sflag:s0] =	ssyncset.done @!p0 $0x0  }
0x47: {  	[sflag:s0] =	ssyncadd.s32 @!p0 s1  }
0x48: {  	[bflag:$0x3] =	sbarrier.arrive $0xFFFF  }
0x49: {  	_ =	shalt  }

</sc_bundles>
